<compile_context>
chip_gen: v7x
topology: tpu7x:2x2x1
jax: 0.10.2.dev20260603
libtpu: 0.0.44.dev20260713+nightly
codegen_flags: <defaults>
</compile_context>

<pallas_src>
import jax
import jax.numpy as jnp
from jax.experimental import pallas as pl
from jax.experimental.pallas import tpu as pltpu

B, N = 1, 1024
DIM_IN, DIM_OUT = 64, 128
KS, STRIDE, RADIUS, SIGMA, NN, NA = 24, 2, 0.4, 0.2, 32, 12
P = N // STRIDE
CK = DIM_IN * KS
PA = P * NA
AK = NA * KS
AC = NA * DIM_IN
PB = 64
PB2 = 32
PNB = PB2 * NN


def _topk_kernel(d2in_ref, idx_ref, d2_ref):
    d2_ref[...] = d2in_ref[...]
    iota = jax.lax.broadcasted_iota(jnp.int32, (PB, N), 1)
    lane32 = jax.lax.broadcasted_iota(jnp.int32, (PB, NN), 1)
    inf = jnp.float32(jnp.inf)

    def body(k, idxs):
        d2 = d2_ref[...]
        m = jnp.min(d2, axis=1, keepdims=True)
        am = jnp.min(jnp.where(d2 == m, iota, N), axis=1, keepdims=True)
        d2_ref[...] = jnp.where(iota == am, inf, d2)
        return jnp.where(lane32 == k, am, idxs)

    idx_ref[...] = jax.lax.fori_loop(0, NN, body, jnp.zeros((PB, NN), jnp.int32))


def _interp_kernel(idx_ref, rel_ref, r2_ref, rkT_ref, f_ref, w_ref, nf_ref):
    rkT = rkT_ref[...]
    rk2 = jnp.sum(rkT * rkT, axis=0, keepdims=True)
    rel = rel_ref[...]
    cross = (rel[:, 0:1] * rkT[0:1, :] + rel[:, 1:2] * rkT[1:2, :]
             + rel[:, 2:3] * rkT[2:3, :])
    d2 = r2_ref[...] - 2.0 * cross + rk2
    dist = jnp.sqrt(jnp.maximum(d2, 0.0) + 1e-12)
    w = jnp.maximum(1.0 - dist * (1.0 / SIGMA), 0.0)
    w_ref[...] = w

    iota = jax.lax.broadcasted_iota(jnp.int32, (PB2, NN, N), 2)
    s = (idx_ref[...][:, :, None] == iota).astype(jnp.bfloat16)
    s2 = s.reshape(PNB, N)
    gf = jnp.dot(s2, f_ref[...], preferred_element_type=jnp.float32)
    gf3 = gf.astype(jnp.bfloat16).reshape(PB2, NN, AC)
    w3 = w.astype(jnp.bfloat16).reshape(PB2, NN, AK)

    t3 = jax.lax.dot_general(gf3, w3, (((1,), (1,)), ((0,), (0,))),
                             preferred_element_type=jnp.float32)
    tiles = [t3[:, a * DIM_IN:(a + 1) * DIM_IN, a * KS:(a + 1) * KS]
             for a in range(NA)]
    nf_ref[...] = jnp.concatenate(tiles, axis=2)


def _conv_norm_kernel(w_ref, x_ref, o_ref):
    acc = jnp.dot(w_ref[...], x_ref[...], preferred_element_type=jnp.float32)
    mu = jnp.mean(acc, axis=1, keepdims=True)
    var = jnp.mean(acc * acc, axis=1, keepdims=True) - mu * mu
    y = (acc - mu) * jax.lax.rsqrt(var + 1e-5)
    o_ref[...] = jnp.maximum(y, 0.0)


def kernel(xyz, feats, anchors, W, kernels):
    b, c, n, na = feats.shape
    sample_idx = jnp.arange(0, n, STRIDE)
    xyz2 = xyz[0]
    nx2 = xyz2[:, ::STRIDE].T
    new_xyz = xyz2[:, ::STRIDE][None]

    x_t = xyz2.T
    d2 = jnp.sum((nx2[:, None, :] - x_t[None, :, :]) ** 2, axis=-1)

    idx2 = pl.pallas_call(
        _topk_kernel,
        grid=(P // PB,),
        in_specs=[pl.BlockSpec((PB, N), lambda i: (i, 0))],
        out_specs=pl.BlockSpec((PB, NN), lambda i: (i, 0)),
        out_shape=jax.ShapeDtypeStruct((P, NN), jnp.int32),
        scratch_shapes=[pltpu.VMEM((PB, N), jnp.float32)],
    )(d2)
    inter_idx = idx2[None]

    val2 = jnp.take_along_axis(d2, idx2, axis=1)
    grouped = x_t[idx2.reshape(-1)]
    rel = grouped - jnp.repeat(nx2, NN, axis=0)
    rk = jnp.einsum('aij,kj->aki', anchors, kernels)
    rkT = rk.reshape(AK, 3).T

    f_ac = jnp.transpose(feats[0], (2, 0, 1)).reshape(AC, N).T
    f_ac = f_ac.astype(jnp.bfloat16)

    w2, nf = pl.pallas_call(
        _interp_kernel,
        grid=(P // PB2,),
        in_specs=[
            pl.BlockSpec((PB2, NN), lambda i: (i, 0)),
            pl.BlockSpec((PNB, 3), lambda i: (i, 0)),
            pl.BlockSpec((PNB, 1), lambda i: (i, 0)),
            pl.BlockSpec((3, AK), lambda i: (0, 0)),
            pl.BlockSpec((N, AC), lambda i: (0, 0)),
        ],
        out_specs=[
            pl.BlockSpec((PNB, AK), lambda i: (i, 0)),
            pl.BlockSpec((PB2, DIM_IN, AK), lambda i: (i, 0, 0)),
        ],
        out_shape=[
            jax.ShapeDtypeStruct((P * NN, AK), jnp.float32),
            jax.ShapeDtypeStruct((P, DIM_IN, AK), jnp.float32),
        ],
    )(idx2, rel, val2.reshape(P * NN, 1), rkT, f_ac)
    inter_w = w2.reshape(B, P, NN, NA, KS)

    conv_in = nf.reshape(P, DIM_IN, NA, KS).transpose(1, 3, 0, 2).reshape(CK, PA).astype(jnp.bfloat16)
    out = pl.pallas_call(
        _conv_norm_kernel,
        out_shape=jax.ShapeDtypeStruct((DIM_OUT, PA), jnp.float32),
    )(W.astype(jnp.bfloat16), conv_in)

    feat = jnp.reshape(out, (B, DIM_OUT, P, NA))
    return inter_idx, inter_w, sample_idx, new_xyz, feat, anchors

# --- scband reference (transcript-rebuilt; emitter-appended) ---
"""Pipeline reference for scband-inter-so3-conv-block-1726576855543 (READ-ONLY COPY).

The authoritative reference and input builder live on the scoring server;
editing this copy changes nothing except your own understanding.
"""

import jax, jax.numpy as jnp
import numpy as np

B, N = 1, 1024
DIM_IN, DIM_OUT = 64, 128
KS, STRIDE, RADIUS, SIGMA, NN, NA = 24, 2, 0.4, 0.2, 32, 12


def _fib_sphere(n, r):
    i = np.arange(n, dtype=np.float64)
    phi = np.pi * (3.0 - np.sqrt(5.0))
    y = 1.0 - 2.0 * i / max(n - 1, 1)
    rad = np.sqrt(np.maximum(0.0, 1.0 - y * y))
    th = phi * i
    pts = np.stack([np.cos(th) * rad, y, np.sin(th) * rad], axis=1)
    return (pts * r).astype(np.float32)


def setup_inputs(seed: int = 0):
    key = jax.random.key(seed)
    k1, k2, k3, k4 = jax.random.split(key, 4)
    xyz = jax.random.uniform(k1, (B, 3, N), dtype=jnp.float32)
    feats = jax.random.normal(k2, (B, DIM_IN, N, NA), dtype=jnp.float32)
    a = jax.random.normal(k3, (NA, 3, 3), dtype=jnp.float32)
    q, _ = jnp.linalg.qr(a)
    anchors = q.astype(jnp.float32)
    W = jax.random.normal(k4, (DIM_OUT, DIM_IN * KS), dtype=jnp.float32) * 0.02
    kernels = jnp.asarray(_fib_sphere(KS, RADIUS * 0.7))
    return {"xyz": xyz, "feats": feats, "anchors": anchors, "W": W, "kernels": kernels}


def reference(xyz, feats, anchors, W, kernels):
    b, c, n, na = feats.shape
    # strided (lazy) sampling of output points
    sample_idx = jnp.arange(0, n, STRIDE)
    x_t = jnp.transpose(xyz, (0, 2, 1))  # [B, N, 3]
    nx = x_t[:, sample_idx, :]           # [B, P, 3]
    new_xyz = jnp.transpose(nx, (0, 2, 1))
    # ball query approximated by kNN (gather)
    d2 = jnp.sum((nx[:, :, None, :] - x_t[:, None, :, :]) ** 2, axis=-1)  # [B, P, N]
    _, inter_idx = jax.lax.top_k(-d2, NN)  # [B, P, NN]
    grouped = jnp.take_along_axis(x_t[:, None, :, :], inter_idx[..., None], axis=2)  # [B, P, NN, 3]
    rel = grouped - nx[:, :, None, :]
    # rotate kernel points by every anchor rotation
    rk = jnp.einsum('aij,kj->aki', anchors, kernels)  # [NA, KS, 3]
    diff = rel[:, :, :, None, None, :] - rk[None, None, None, :, :, :]  # [B, P, NN, NA, KS, 3]
    dist = jnp.sqrt(jnp.sum(diff * diff, axis=-1) + 1e-12)
    inter_w = jnp.maximum(1.0 - dist / SIGMA, 0.0)  # [B, P, NN, NA, KS]
    # gather neighbor features (SparseCore-style gather)
    f_t = jnp.transpose(feats, (0, 2, 1, 3))  # [B, N, C, NA]
    gf = jnp.take_along_axis(f_t[:, None, :, :, :], inter_idx[:, :, :, None, None], axis=2)  # [B, P, NN, C, NA]
    # interpolate onto kernel points
    new_f = jnp.einsum('bpnca,bpnak->bckpa', gf, inter_w)  # [B, C, KS, P, NA]
    p = sample_idx.shape[0]
    conv_in = jnp.reshape(new_f, (b, c * KS, p, na))
    out = jnp.einsum('oc,bcpa->bopa', W, conv_in)  # BasicSO3Conv 1x1
    # InstanceNorm2d(affine=False) over (P, NA)
    mu = jnp.mean(out, axis=(2, 3), keepdims=True)
    var = jnp.var(out, axis=(2, 3), keepdims=True)
    feat = (out - mu) / jnp.sqrt(var + 1e-5)
    feat = jax.nn.relu(feat)
    return inter_idx, inter_w, sample_idx, new_xyz, feat, anchors

if __name__ == "__main__":
    import jax
    _d = setup_inputs()
    print(jax.jit(kernel)(*tuple(_d.values())))

</pallas_src>

<mosaic_0001>
module attributes {stable_mosaic.version = 14 : i64} {
  func.func @_topk_kernel(%arg0: i32, %arg1: memref<64x1024xf32, #tpu.memory_space<vmem>>, %arg2: memref<64x32xi32, #tpu.memory_space<vmem>>, %arg3: memref<64x1024xf32, #tpu.memory_space<vmem>>) attributes {dimension_semantics = [#tpu.dimension_semantics<arbitrary>], iteration_bounds = array<i64: 8>, scalar_prefetch = 0 : i64, scratch_operands = 1 : i64, tpu.core_type = #tpu.core_type<tc>, window_params = [{transform_indices = @transform_0, window_bounds = array<i64: 64, 1024>}, {transform_indices = @transform_1, window_bounds = array<i64: 64, 32>}]} {
    %get3A = arith.constant 0 : index
    %get3A_0 = arith.constant 0 : index
    %get3A_1 = vector.load %arg1[%get3A, %get3A_0] : memref<64x1024xf32, #tpu.memory_space<vmem>>, vector<64x1024xf32>
    %swap3A = arith.constant 0 : index
    %swap3A_2 = arith.constant 0 : index
    %swap3A_3 = vector.load %arg3[%swap3A, %swap3A_2] : memref<64x1024xf32, #tpu.memory_space<vmem>>, vector<64x1024xf32>
    tpu.vector_store %arg3[%swap3A, %swap3A_2], %get3A_1 {strides = array<i32>} : memref<64x1024xf32, #tpu.memory_space<vmem>>, vector<64x1024xf32>,
    %iota3A = tpu.iota {dimensions = array<i32: 1>} : vector<64x1024xi32>
    %iota3A_4 = tpu.iota {dimensions = array<i32: 1>} : vector<64x32xi32>
    %broadcast_in_dim3A = arith.constant 0 : i32
    %broadcast_in_dim3A_5 = vector.broadcast %broadcast_in_dim3A : i32 to vector<64x32xi32>
    %scan3A = arith.constant 0x7F800000 : f32
    %scan3A_6 = arith.constant 0 : i32
    %scan3A_7 = arith.constant 32 : i32
    %scan3A_8 = arith.addi %scan3A_6, %scan3A_7 : i32
    %scan3A_9 = arith.constant 1 : i32
    %scan3A_10 = scf.for %scan3A_15 = %scan3A_6 to %scan3A_8 step %scan3A_9 iter_args(%scan3A_16 = %broadcast_in_dim3A_5) -> (vector<64x32xi32>)  : i32 {
      %get3A_17 = arith.constant 0 : index
      %get3A_18 = arith.constant 0 : index
      %get3A_19 = vector.load %arg3[%get3A_17, %get3A_18] : memref<64x1024xf32, #tpu.memory_space<vmem>>, vector<64x1024xf32>
      %reduce_min3A = arith.constant dense<0x7F800000> : vector<64xf32>
      %reduce_min3A_20 = vector.multi_reduction <minimumf>, %get3A_19, %reduce_min3A [1] : vector<64x1024xf32> to vector<64xf32>
      %broadcast_in_dim3A_21 = vector.shape_cast %reduce_min3A_20 : vector<64xf32> to vector<64x1xf32>
      %eq3A = vector.broadcast %broadcast_in_dim3A_21 : vector<64x1xf32> to vector<64x1024xf32>
      %eq3A_22 = arith.cmpf oeq, %get3A_19, %eq3A : vector<64x1024xf32>
      %jit3A = arith.constant 1024 : i32
      %broadcast_in_dim3A_23 = vector.broadcast %jit3A : i32 to vector<64x1024xi32>
      %select_n3A = arith.select %eq3A_22, %iota3A, %broadcast_in_dim3A_23 : vector<64x1024xi1>, vector<64x1024xi32>
      %reduce_min3A_24 = arith.constant dense<2147483647> : vector<64xi32>
      %reduce_min3A_25 = vector.multi_reduction <minsi>, %select_n3A, %reduce_min3A_24 [1] : vector<64x1024xi32> to vector<64xi32>
      %broadcast_in_dim3A_26 = vector.shape_cast %reduce_min3A_25 : vector<64xi32> to vector<64x1xi32>
      %eq3A_27 = vector.broadcast %broadcast_in_dim3A_26 : vector<64x1xi32> to vector<64x1024xi32>
      %eq3A_28 = arith.cmpi eq, %iota3A, %eq3A_27 : vector<64x1024xi32>
      %broadcast_in_dim3A_29 = vector.broadcast %scan3A : f32 to vector<64x1024xf32>
      %select_n3A_30 = arith.select %eq3A_28, %broadcast_in_dim3A_29, %get3A_19 : vector<64x1024xi1>, vector<64x1024xf32>
      %swap3A_31 = arith.constant 0 : index
      %swap3A_32 = arith.constant 0 : index
      %swap3A_33 = vector.load %arg3[%swap3A_31, %swap3A_32] : memref<64x1024xf32, #tpu.memory_space<vmem>>, vector<64x1024xf32>
      tpu.vector_store %arg3[%swap3A_31, %swap3A_32], %select_n3A_30 {strides = array<i32>} : memref<64x1024xf32, #tpu.memory_space<vmem>>, vector<64x1024xf32>,
      %eq3A_34 = vector.broadcast %scan3A_15 : i32 to vector<64x32xi32>
      %eq3A_35 = arith.cmpi eq, %iota3A_4, %eq3A_34 : vector<64x32xi32>
      %broadcast_in_dim3A_36 = vector.shape_cast %broadcast_in_dim3A_26 : vector<64x1xi32> to vector<64x1xi32>
      %broadcast_in_dim3A_37 = vector.broadcast %broadcast_in_dim3A_36 : vector<64x1xi32> to vector<64x32xi32>
      %select_n3A_38 = arith.select %eq3A_35, %broadcast_in_dim3A_37, %scan3A_16 : vector<64x32xi1>, vector<64x32xi32>
      scf.yield %select_n3A_38 : vector<64x32xi32>
    }
    %scan3A_11 = arith.constant 32 : i32
    %swap3A_12 = arith.constant 0 : index
    %swap3A_13 = arith.constant 0 : index
    %swap3A_14 = vector.load %arg2[%swap3A_12, %swap3A_13] : memref<64x32xi32, #tpu.memory_space<vmem>>, vector<64x32xi32>
    tpu.vector_store %arg2[%swap3A_12, %swap3A_13], %scan3A_10 {strides = array<i32>} : memref<64x32xi32, #tpu.memory_space<vmem>>, vector<64x32xi32>,
    return
  }
  func.func @transform_0(%arg0: i32) -> (i32, i32) {
    %c0_i32 = arith.constant 0 : i32
    %c0_i32_0 = arith.constant 0 : i32
    return %arg0, %c0_i32 : i32, i32
  }
  func.func @transform_1(%arg0: i32) -> (i32, i32) {
    %c0_i32 = arith.constant 0 : i32
    %c0_i32_0 = arith.constant 0 : i32
    return %arg0, %c0_i32 : i32, i32
  }
}

module attributes {stable_mosaic.version = 14 : i64} {
  func.func @_interp_kernel(%arg0: i32, %arg1: memref<32x32xi32, #tpu.memory_space<vmem>>, %arg2: memref<1024x3xf32, #tpu.memory_space<vmem>>, %arg3: memref<1024x1xf32, #tpu.memory_space<vmem>>, %arg4: memref<3x288xf32, #tpu.memory_space<vmem>>, %arg5: memref<1024x768xbf16, #tpu.memory_space<vmem>>, %arg6: memref<1024x288xf32, #tpu.memory_space<vmem>>, %arg7: memref<32x64x288xf32, #tpu.memory_space<vmem>>) attributes {dimension_semantics = [#tpu.dimension_semantics<arbitrary>], iteration_bounds = array<i64: 16>, scalar_prefetch = 0 : i64, scratch_operands = 0 : i64, tpu.core_type = #tpu.core_type<tc>, window_params = [{transform_indices = @transform_0, window_bounds = array<i64: 32, 32>}, {transform_indices = @transform_1, window_bounds = array<i64: 1024, 3>}, {transform_indices = @transform_2, window_bounds = array<i64: 1024, 1>}, {pipeline_mode = #tpu.pipeline_mode<synchronous>, transform_indices = @transform_3, window_bounds = array<i64: 3, 288>}, {pipeline_mode = #tpu.pipeline_mode<synchronous>, transform_indices = @transform_4, window_bounds = array<i64: 1024, 768>}, {transform_indices = @transform_5, window_bounds = array<i64: 1024, 288>}, {transform_indices = @transform_6, window_bounds = array<i64: 32, 64, 288>}]} {
    %get3A = arith.constant 0 : index
    %get3A_0 = arith.constant 0 : index
    %get3A_1 = vector.load %arg4[%get3A, %get3A_0] : memref<3x288xf32, #tpu.memory_space<vmem>>, vector<3x288xf32>
    %mul3A = arith.mulf %get3A_1, %get3A_1 : vector<3x288xf32>
    %reduce_sum3A = arith.constant dense<0.000000e+00> : vector<288xf32>
    %reduce_sum3A_2 = vector.multi_reduction <add>, %mul3A, %reduce_sum3A [0] : vector<3x288xf32> to vector<288xf32>
    %broadcast_in_dim3A = vector.shape_cast %reduce_sum3A_2 : vector<288xf32> to vector<1x288xf32>
    %get3A_3 = arith.constant 0 : index
    %get3A_4 = arith.constant 0 : index
    %get3A_5 = vector.load %arg2[%get3A_3, %get3A_4] : memref<1024x3xf32, #tpu.memory_space<vmem>>, vector<1024x3xf32>
    %slice3A = vector.extract_strided_slice %get3A_5 {offsets = [0, 0], sizes = [1024, 1], strides = [1, 1]} : vector<1024x3xf32> to vector<1024x1xf32>
    %slice3A_6 = vector.extract_strided_slice %get3A_1 {offsets = [0, 0], sizes = [1, 288], strides = [1, 1]} : vector<3x288xf32> to vector<1x288xf32>
    %mul3A_7 = vector.broadcast %slice3A : vector<1024x1xf32> to vector<1024x288xf32>
    %mul3A_8 = vector.broadcast %slice3A_6 : vector<1x288xf32> to vector<1024x288xf32>
    %mul3A_9 = arith.mulf %mul3A_7, %mul3A_8 : vector<1024x288xf32>
    %slice3A_10 = vector.extract_strided_slice %get3A_5 {offsets = [0, 1], sizes = [1024, 1], strides = [1, 1]} : vector<1024x3xf32> to vector<1024x1xf32>
    %slice3A_11 = vector.extract_strided_slice %get3A_1 {offsets = [1, 0], sizes = [1, 288], strides = [1, 1]} : vector<3x288xf32> to vector<1x288xf32>
    %mul3A_12 = vector.broadcast %slice3A_10 : vector<1024x1xf32> to vector<1024x288xf32>
    %mul3A_13 = vector.broadcast %slice3A_11 : vector<1x288xf32> to vector<1024x288xf32>
    %mul3A_14 = arith.mulf %mul3A_12, %mul3A_13 : vector<1024x288xf32>
    %add3A = arith.addf %mul3A_9, %mul3A_14 : vector<1024x288xf32>
    %slice3A_15 = vector.extract_strided_slice %get3A_5 {offsets = [0, 2], sizes = [1024, 1], strides = [1, 1]} : vector<1024x3xf32> to vector<1024x1xf32>
    %slice3A_16 = vector.extract_strided_slice %get3A_1 {offsets = [2, 0], sizes = [1, 288], strides = [1, 1]} : vector<3x288xf32> to vector<1x288xf32>
    %mul3A_17 = vector.broadcast %slice3A_15 : vector<1024x1xf32> to vector<1024x288xf32>
    %mul3A_18 = vector.broadcast %slice3A_16 : vector<1x288xf32> to vector<1024x288xf32>
    %mul3A_19 = arith.mulf %mul3A_17, %mul3A_18 : vector<1024x288xf32>
    %add3A_20 = arith.addf %add3A, %mul3A_19 : vector<1024x288xf32>
    %get3A_21 = arith.constant 0 : index
    %get3A_22 = arith.constant 0 : index
    %get3A_23 = vector.load %arg3[%get3A_21, %get3A_22] : memref<1024x1xf32, #tpu.memory_space<vmem>>, vector<1024x1xf32>
    %mul3A_24 = arith.constant 2.000000e+00 : f32
    %mul3A_25 = vector.broadcast %mul3A_24 : f32 to vector<1024x288xf32>
    %mul3A_26 = arith.mulf %mul3A_25, %add3A_20 : vector<1024x288xf32>
    %sub3A = vector.broadcast %get3A_23 : vector<1024x1xf32> to vector<1024x288xf32>
    %sub3A_27 = arith.subf %sub3A, %mul3A_26 : vector<1024x288xf32>
    %add3A_28 = vector.broadcast %broadcast_in_dim3A : vector<1x288xf32> to vector<1024x288xf32>
    %add3A_29 = arith.addf %sub3A_27, %add3A_28 : vector<1024x288xf32>
    %max3A = arith.constant 0.000000e+00 : f32
    %max3A_30 = vector.broadcast %max3A : f32 to vector<1024x288xf32>
    %max3A_31 = arith.maximumf %add3A_29, %max3A_30 : vector<1024x288xf32>
    %add3A_32 = arith.constant 9.99999996E-13 : f32
    %add3A_33 = vector.broadcast %add3A_32 : f32 to vector<1024x288xf32>
    %add3A_34 = arith.addf %max3A_31, %add3A_33 : vector<1024x288xf32>
    %sqrt3A = math.sqrt %add3A_34 : vector<1024x288xf32>
    %mul3A_35 = arith.constant 5.000000e+00 : f32
    %mul3A_36 = vector.broadcast %mul3A_35 : f32 to vector<1024x288xf32>
    %mul3A_37 = arith.mulf %sqrt3A, %mul3A_36 : vector<1024x288xf32>
    %sub3A_38 = arith.constant 1.000000e+00 : f32
    %sub3A_39 = vector.broadcast %sub3A_38 : f32 to vector<1024x288xf32>
    %sub3A_40 = arith.subf %sub3A_39, %mul3A_37 : vector<1024x288xf32>
    %max3A_41 = arith.constant 0.000000e+00 : f32
    %max3A_42 = vector.broadcast %max3A_41 : f32 to vector<1024x288xf32>
    %max3A_43 = arith.maximumf %sub3A_40, %max3A_42 : vector<1024x288xf32>
    %swap3A = arith.constant 0 : index
    %swap3A_44 = arith.constant 0 : index
    %swap3A_45 = vector.load %arg6[%swap3A, %swap3A_44] : memref<1024x288xf32, #tpu.memory_space<vmem>>, vector<1024x288xf32>
    tpu.vector_store %arg6[%swap3A, %swap3A_44], %max3A_43 {strides = array<i32>} : memref<1024x288xf32, #tpu.memory_space<vmem>>, vector<1024x288xf32>,
    %iota3A = tpu.iota {dimensions = array<i32: 2>} : vector<32x32x1024xi32>
    %get3A_46 = arith.constant 0 : index
    %get3A_47 = arith.constant 0 : index
    %get3A_48 = vector.load %arg1[%get3A_46, %get3A_47] : memref<32x32xi32, #tpu.memory_space<vmem>>, vector<32x32xi32>
    %broadcast_in_dim3A_49 = vector.shape_cast %get3A_48 : vector<32x32xi32> to vector<32x32x1xi32>
    %eq3A = vector.broadcast %broadcast_in_dim3A_49 : vector<32x32x1xi32> to vector<32x32x1024xi32>
    %eq3A_50 = arith.cmpi eq, %eq3A, %iota3A : vector<32x32x1024xi32>
    %convert_element_type3A = arith.extui %eq3A_50 : vector<32x32x1024xi1> to vector<32x32x1024xi32>
    %convert_element_type3A_51 = arith.sitofp %convert_element_type3A : vector<32x32x1024xi32> to vector<32x32x1024xf32>
    %convert_element_type3A_52 = arith.truncf %convert_element_type3A_51 : vector<32x32x1024xf32> to vector<32x32x1024xbf16>
    %reshape3A = vector.shape_cast %convert_element_type3A_52 : vector<32x32x1024xbf16> to vector<1024x1024xbf16>
    %get3A_53 = arith.constant 0 : index
    %get3A_54 = arith.constant 0 : index
    %get3A_55 = vector.load %arg5[%get3A_53, %get3A_54] : memref<1024x768xbf16, #tpu.memory_space<vmem>>, vector<1024x768xbf16>
    %dot_general3A = arith.constant dense<0.000000e+00> : vector<1024x768xf32>
    %dot_general3A_56 = tpu.matmul %reshape3A, %get3A_55, %dot_general3A {dimension_numbers = #tpu.dot_dimension_numbers<[1], [0], [0], [1], [0, 0, 1, 1], [], []>, transpose_lhs_hint = false} : vector<1024x1024xbf16>, vector<1024x768xbf16>, vector<1024x768xf32> -> vector<1024x768xf32>
    %convert_element_type3A_57 = arith.truncf %dot_general3A_56 : vector<1024x768xf32> to vector<1024x768xbf16>
    %reshape3A_58 = vector.shape_cast %convert_element_type3A_57 : vector<1024x768xbf16> to vector<32x32x768xbf16>
    %convert_element_type3A_59 = arith.truncf %max3A_43 : vector<1024x288xf32> to vector<1024x288xbf16>
    %reshape3A_60 = vector.shape_cast %convert_element_type3A_59 : vector<1024x288xbf16> to vector<32x32x288xbf16>
    %dot_general3A_61 = arith.constant dense<0.000000e+00> : vector<32x768x288xf32>
    %dot_general3A_62 = tpu.matmul %reshape3A_58, %reshape3A_60, %dot_general3A_61 {dimension_numbers = #tpu.dot_dimension_numbers<[1], [1], [2], [2], [0, 0, 0, 2, 1, 2], [0], [0]>, transpose_lhs_hint = false} : vector<32x32x768xbf16>, vector<32x32x288xbf16>, vector<32x768x288xf32> -> vector<32x768x288xf32>
    %slice3A_63 = vector.extract_strided_slice %dot_general3A_62 {offsets = [0, 0, 0], sizes = [32, 64, 24], strides = [1, 1, 1]} : vector<32x768x288xf32> to vector<32x64x24xf32>
    %slice3A_64 = vector.extract_strided_slice %dot_general3A_62 {offsets = [0, 64, 24], sizes = [32, 64, 24], strides = [1, 1, 1]} : vector<32x768x288xf32> to vector<32x64x24xf32>
    %slice3A_65 = vector.extract_strided_slice %dot_general3A_62 {offsets = [0, 128, 48], sizes = [32, 64, 24], strides = [1, 1, 1]} : vector<32x768x288xf32> to vector<32x64x24xf32>
    %slice3A_66 = vector.extract_strided_slice %dot_general3A_62 {offsets = [0, 192, 72], sizes = [32, 64, 24], strides = [1, 1, 1]} : vector<32x768x288xf32> to vector<32x64x24xf32>
    %slice3A_67 = vector.extract_strided_slice %dot_general3A_62 {offsets = [0, 256, 96], sizes = [32, 64, 24], strides = [1, 1, 1]} : vector<32x768x288xf32> to vector<32x64x24xf32>
    %slice3A_68 = vector.extract_strided_slice %dot_general3A_62 {offsets = [0, 320, 120], sizes = [32, 64, 24], strides = [1, 1, 1]} : vector<32x768x288xf32> to vector<32x64x24xf32>
    %slice3A_69 = vector.extract_strided_slice %dot_general3A_62 {offsets = [0, 384, 144], sizes = [32, 64, 24], strides = [1, 1, 1]} : vector<32x768x288xf32> to vector<32x64x24xf32>
    %slice3A_70 = vector.extract_strided_slice %dot_general3A_62 {offsets = [0, 448, 168], sizes = [32, 64, 24], strides = [1, 1, 1]} : vector<32x768x288xf32> to vector<32x64x24xf32>
    %slice3A_71 = vector.extract_strided_slice %dot_general3A_62 {offsets = [0, 512, 192], sizes = [32, 64, 24], strides = [1, 1, 1]} : vector<32x768x288xf32> to vector<32x64x24xf32>
    %slice3A_72 = vector.extract_strided_slice %dot_general3A_62 {offsets = [0, 576, 216], sizes = [32, 64, 24], strides = [1, 1, 1]} : vector<32x768x288xf32> to vector<32x64x24xf32>
    %slice3A_73 = vector.extract_strided_slice %dot_general3A_62 {offsets = [0, 640, 240], sizes = [32, 64, 24], strides = [1, 1, 1]} : vector<32x768x288xf32> to vector<32x64x24xf32>
    %slice3A_74 = vector.extract_strided_slice %dot_general3A_62 {offsets = [0, 704, 264], sizes = [32, 64, 24], strides = [1, 1, 1]} : vector<32x768x288xf32> to vector<32x64x24xf32>
    %concatenate3A = tpu.concatenate %slice3A_63, %slice3A_64, %slice3A_65, %slice3A_66, %slice3A_67, %slice3A_68, %slice3A_69, %slice3A_70, %slice3A_71, %slice3A_72, %slice3A_73, %slice3A_74 in 2 : vector<32x64x24xf32>, vector<32x64x24xf32>, vector<32x64x24xf32>, vector<32x64x24xf32>, vector<32x64x24xf32>, vector<32x64x24xf32>, vector<32x64x24xf32>, vector<32x64x24xf32>, vector<32x64x24xf32>, vector<32x64x24xf32>, vector<32x64x24xf32>, vector<32x64x24xf32> -> vector<32x64x288xf32>
    %swap3A_75 = arith.constant 0 : index
    %swap3A_76 = arith.constant 0 : index
    %swap3A_77 = arith.constant 0 : index
    %swap3A_78 = vector.load %arg7[%swap3A_75, %swap3A_76, %swap3A_77] : memref<32x64x288xf32, #tpu.memory_space<vmem>>, vector<32x64x288xf32>
    tpu.vector_store %arg7[%swap3A_75, %swap3A_76, %swap3A_77], %concatenate3A {strides = array<i32>} : memref<32x64x288xf32, #tpu.memory_space<vmem>>, vector<32x64x288xf32>,
    return
  }
  func.func @transform_0(%arg0: i32) -> (i32, i32) {
    %c0_i32 = arith.constant 0 : i32
    %c0_i32_0 = arith.constant 0 : i32
    return %arg0, %c0_i32 : i32, i32
  }
  func.func @transform_1(%arg0: i32) -> (i32, i32) {
    %c0_i32 = arith.constant 0 : i32
    %c0_i32_0 = arith.constant 0 : i32
    return %arg0, %c0_i32 : i32, i32
  }
  func.func @transform_2(%arg0: i32) -> (i32, i32) {
    %c0_i32 = arith.constant 0 : i32
    %c0_i32_0 = arith.constant 0 : i32
    return %arg0, %c0_i32 : i32, i32
  }
  func.func @transform_3(%arg0: i32) -> (i32, i32) {
    %c0_i32 = arith.constant 0 : i32
    %c0_i32_0 = arith.constant 0 : i32
    %c0_i32_1 = arith.constant 0 : i32
    return %c0_i32, %c0_i32_0 : i32, i32
  }
  func.func @transform_4(%arg0: i32) -> (i32, i32) {
    %c0_i32 = arith.constant 0 : i32
    %c0_i32_0 = arith.constant 0 : i32
    %c0_i32_1 = arith.constant 0 : i32
    return %c0_i32, %c0_i32_0 : i32, i32
  }
  func.func @transform_5(%arg0: i32) -> (i32, i32) {
    %c0_i32 = arith.constant 0 : i32
    %c0_i32_0 = arith.constant 0 : i32
    return %arg0, %c0_i32 : i32, i32
  }
  func.func @transform_6(%arg0: i32) -> (i32, i32, i32) {
    %c0_i32 = arith.constant 0 : i32
    %c0_i32_0 = arith.constant 0 : i32
    %c0_i32_1 = arith.constant 0 : i32
    return %arg0, %c0_i32, %c0_i32_0 : i32, i32, i32
  }
}

module attributes {stable_mosaic.version = 14 : i64} {
  func.func @_conv_norm_kernel(%arg0: memref<128x1536xbf16, #tpu.memory_space<vmem>>, %arg1: memref<1536x6144xbf16, #tpu.memory_space<vmem>>, %arg2: memref<128x6144xf32, #tpu.memory_space<vmem>>) attributes {dimension_semantics = [], scalar_prefetch = 0 : i64, scratch_operands = 0 : i64, tpu.core_type = #tpu.core_type<tc>} {
    %get3A = arith.constant 0 : index
    %get3A_0 = arith.constant 0 : index
    %get3A_1 = vector.load %arg0[%get3A, %get3A_0] : memref<128x1536xbf16, #tpu.memory_space<vmem>>, vector<128x1536xbf16>
    %get3A_2 = arith.constant 0 : index
    %get3A_3 = arith.constant 0 : index
    %get3A_4 = vector.load %arg1[%get3A_2, %get3A_3] : memref<1536x6144xbf16, #tpu.memory_space<vmem>>, vector<1536x6144xbf16>
    %dot_general3A = arith.constant dense<0.000000e+00> : vector<128x6144xf32>
    %dot_general3A_5 = tpu.matmul %get3A_1, %get3A_4, %dot_general3A {dimension_numbers = #tpu.dot_dimension_numbers<[1], [0], [0], [1], [0, 0, 1, 1], [], []>, transpose_lhs_hint = false} : vector<128x1536xbf16>, vector<1536x6144xbf16>, vector<128x6144xf32> -> vector<128x6144xf32>
    %reduce_sum3A = arith.constant dense<0.000000e+00> : vector<128xf32>
    %reduce_sum3A_6 = vector.multi_reduction <add>, %dot_general3A_5, %reduce_sum3A [1] : vector<128x6144xf32> to vector<128xf32>
    %broadcast_in_dim3A = vector.shape_cast %reduce_sum3A_6 : vector<128xf32> to vector<128x1xf32>
    %div3A = arith.constant 6.144000e+03 : f32
    %div3A_7 = vector.broadcast %div3A : f32 to vector<128x1xf32>
    %div3A_8 = arith.divf %broadcast_in_dim3A, %div3A_7 : vector<128x1xf32>
    %mul3A = arith.mulf %dot_general3A_5, %dot_general3A_5 : vector<128x6144xf32>
    %reduce_sum3A_9 = arith.constant dense<0.000000e+00> : vector<128xf32>
    %reduce_sum3A_10 = vector.multi_reduction <add>, %mul3A, %reduce_sum3A_9 [1] : vector<128x6144xf32> to vector<128xf32>
    %broadcast_in_dim3A_11 = vector.shape_cast %reduce_sum3A_10 : vector<128xf32> to vector<128x1xf32>
    %div3A_12 = arith.constant 6.144000e+03 : f32
    %div3A_13 = vector.broadcast %div3A_12 : f32 to vector<128x1xf32>
    %div3A_14 = arith.divf %broadcast_in_dim3A_11, %div3A_13 : vector<128x1xf32>
    %mul3A_15 = arith.mulf %div3A_8, %div3A_8 : vector<128x1xf32>
    %sub3A = arith.subf %div3A_14, %mul3A_15 : vector<128x1xf32>
    %sub3A_16 = vector.broadcast %div3A_8 : vector<128x1xf32> to vector<128x6144xf32>
    %sub3A_17 = arith.subf %dot_general3A_5, %sub3A_16 : vector<128x6144xf32>
    %add3A = arith.constant 9.99999974E-6 : f32
    %add3A_18 = vector.broadcast %add3A : f32 to vector<128x1xf32>
    %add3A_19 = arith.addf %sub3A, %add3A_18 : vector<128x1xf32>
    %rsqrt3A = math.rsqrt %add3A_19 : vector<128x1xf32>
    %mul3A_20 = vector.broadcast %rsqrt3A : vector<128x1xf32> to vector<128x6144xf32>
    %mul3A_21 = arith.mulf %sub3A_17, %mul3A_20 : vector<128x6144xf32>
    %max3A = arith.constant 0.000000e+00 : f32
    %max3A_22 = vector.broadcast %max3A : f32 to vector<128x6144xf32>
    %max3A_23 = arith.maximumf %mul3A_21, %max3A_22 : vector<128x6144xf32>
    %swap3A = arith.constant 0 : index
    %swap3A_24 = arith.constant 0 : index
    %swap3A_25 = vector.load %arg2[%swap3A, %swap3A_24] : memref<128x6144xf32, #tpu.memory_space<vmem>>, vector<128x6144xf32>
    tpu.vector_store %arg2[%swap3A, %swap3A_24], %max3A_23 {strides = array<i32>} : memref<128x6144xf32, #tpu.memory_space<vmem>>, vector<128x6144xf32>,
    return
  }
}

</mosaic_0001>

<sc_bundles>
// kernel: gather_offload_async_start
scs
__scs_entry_jumppad:
0x0: {  	(pc) =	sbr.rel $0x88, $3  }
0x1: {  	(tag) =	ssettag $0x0;
	lr =	simm.s32 $0x1  }
0x2: {  	[smem:$0x3F9C] =	sst lr;
	_ =	strace $0xD0000000  }
0x3: {  	_ = 	snop  }
0x4: {  	_ = 	snop  }
0x5: {  	_ = 	snop  }
0x6: {  	_ = 	snop  }
0x7: {  	_ = 	snop  }
__scs_overlays_trampoline_lowered:
0x8: {  	[smem:$0x3FAB] =	sst s0  }
0x9: {  	[smem:$0x3FAC] =	sst s1  }
0xa: {  	[smem:$0x3FAD] =	sst s2  }
0xb: {  	[smem:$0x3FAE] =	sst s3  }
0xc: {  	[smem:$0x3FAF] =	sst s4  }
0xd: {  	[smem:$0x3FB0] =	sst s5  }
0xe: {  	[smem:$0x3FB1] =	sst s6  }
0xf: {  	[smem:$0x3FB2] =	sst s7  }
0x10: {  	[smem:$0x3FB3] =	sst s8  }
0x11: {  	[smem:$0x3FB4] =	sst s9;
	s0 =	simm.s32 @!p0 $0x0  }
0x12: {  	s1 =	sld [smem:$0x3F9A];
	s0 =	simm.s32 @p0 $0x1  }
0x13: {  	[smem:$0x3FB5] =	sst s0;
	s0 =	simm.s32 @!p1 $0x0  }
0x14: {  	s2 =	sld [smem:$0x3F99];
	s0 =	simm.s32 @p1 $0x1  }
0x15: {  	[smem:$0x3FB6] =	sst s0;
	s0 =	simm.s32 @!p2 $0x0  }
0x16: {  	s3 =	sld [smem:$0x3FDB];
	s0 =	simm.s32 @p2 $0x1  }
0x17: {  	s4 =	simm.s32 $0x1BF5;
	[smem:$0x3FB8] =	sst s0  }
0x18: {  	s0 =	sld [smem:$0x3F9B];
	_ =	swait.ge [sflag:s4], $0x0  }
0x19: {  	s7 =	sld [smem:$0x3F9C]  }
0x1a: {  	s8 =	sadd.s32 $0xFFFFE003, lr  }
0x1b: {  	s9 =	sadd.s32 $0xFFFFFEF7, lr;
	s5 =	simm.s32 $0xFFFFFFFF;
	p2 =	slt.u32 s8, $0xFFFFF086  }
0x1c: {  	p1 =	slt.u32 s9, $0xF7A;
	s5 =	simm.s32 @!p2 $0x0  }
0x1d: {  	s5 =	simm.s32 @p1 $0x1;
	p0 =	seq.s32 s7, s2  }
0x1e: {  	s7 =	smul.u32 @!p0 $0xF7A, s2;
	p2 =	seq.s32 @!p0 s5, $0x0  }
0x1f: {  	s9 =	smul.u32 $0xF7A, s1;
	s8 =	simm.s32 @!p0 $0x1BF5;
	p2 =	por !p2, p0  }
0x20: {  	[sflag:s8] =	ssyncset.s32 @!p0 $0xFFFFF086;
	s6 =	sadd.s32 @!p0 s3, s7;
	s7 =	simm.s32 @!p0 $0x108  }
0x21: {  	s3 =	sadd.s32 s3, s9;
	s6 =	sadd.s32 @!p0 $0x88, s6;
	s7 =	simm.s32 @p2 $0x1082  }
0x22: {  	[simem:s7], [sflag:s8] =	dma.local @!p0 [hbm:s6], $0xF7A  }
0x23: {  	s9 =	sor.u32 $0xD0000000, s2;
	s6 =	simm.s32 $0x108;
	_ =	swait.ge @!p0 [sflag:s8], $0x0  }
0x24: {  	s3 =	sadd.s32 $0x88, s3;
	s6 =	simm.s32 @!p1 $0x1082;
	[sflag:s4] =	ssyncset.s32 $0xFFFFF086  }
0x25: {  	[simem:s6], [sflag:s4] =	dma.local [hbm:s3], $0xF7A  }
0x26: {  	[smem:$0x3F9C] =	sst s1;
	(tag) =	ssettag s2;
	_ =	strace s9  }
0x27: {  	s1 =	sld [smem:$0x3FAC]  }
0x28: {  	s2 =	sld [smem:$0x3FAD]  }
0x29: {  	s4 =	sld [smem:$0x3FAF]  }
0x2a: {  	p0 =	seq.s32 s5, $0x0;
	s5 =	sld [smem:$0x3FB0]  }
0x2b: {  	s6 =	sld [smem:$0x3FB1]  }
0x2c: {  	s7 =	sld [smem:$0x3FB2]  }
0x2d: {  	s3 =	simm.s32 $0x108;
	s8 =	sld [smem:$0x3FB3]  }
0x2e: {  	s3 =	simm.s32 @!p0 $0x1082;
	s9 =	sld [smem:$0x3FB4]  }
0x2f: {  	lr =	sadd.s32 s0, s3;
	s0 =	sld [smem:$0x3FAB]  }
0x30: {  	s3 =	sld [smem:$0x3FAE]  }
0x31: {  	[smem:$0x3FB7] =	sst s10  }
0x32: {  	s10 =	sld [smem:$0x3FB5];
	_ =	sdelay $0x3  }
0x33: {  	p0 =	seq.s32 s10, $0x1;
	s10 =	sld [smem:$0x3FB7];
	_ =	sdelay $0x3  }
0x34: {  	[smem:$0x3FB7] =	sst s10  }
0x35: {  	s10 =	sld [smem:$0x3FB6];
	_ =	sdelay $0x3  }
0x36: {  	p1 =	seq.s32 s10, $0x1;
	s10 =	sld [smem:$0x3FB7];
	_ =	sdelay $0x3  }
0x37: {  	[smem:$0x3FB7] =	sst s10  }
0x38: {  	s10 =	sld [smem:$0x3FB8]  }
0x39: {  	_ = 	snop;
	(pc) =	sbr.ind lr, $3  }
0x3a: {  	_ = 	snop  }
0x3b: {  	_ = 	snop  }
0x3c: {  	p2 =	seq.s32 s10, $0x1;
	s10 =	sld [smem:$0x3FB7]  }
0x3d: {  	_ =	shalt  }
0x3e: {  	_ =	shalt  }
0x3f: {  	_ =	shalt  }
0x40: {  	_ =	shalt  }
0x41: {  	_ =	shalt  }
0x42: {  	_ =	shalt  }
0x43: {  	_ =	shalt  }
0x44: {  	_ =	shalt  }
0x45: {  	_ =	shalt  }
0x46: {  	_ =	shalt  }
0x47: {  	_ =	shalt  }
0x48: {  	_ =	shalt  }
0x49: {  	_ =	shalt  }
0x4a: {  	_ =	shalt  }
0x4b: {  	_ =	shalt  }
0x4c: {  	_ =	shalt  }
0x4d: {  	_ =	shalt  }
0x4e: {  	_ =	shalt  }
0x4f: {  	_ =	shalt  }
0x50: {  	_ =	shalt  }
0x51: {  	_ =	shalt  }
0x52: {  	_ =	shalt  }
0x53: {  	_ =	shalt  }
0x54: {  	_ =	shalt  }
0x55: {  	_ =	shalt  }
0x56: {  	_ =	shalt  }
0x57: {  	_ =	shalt  }
0x58: {  	_ =	shalt  }
0x59: {  	_ =	shalt  }
0x5a: {  	_ =	shalt  }
0x5b: {  	_ =	shalt  }
0x5c: {  	_ =	shalt  }
0x5d: {  	_ =	shalt  }
0x5e: {  	_ =	shalt  }
0x5f: {  	_ =	shalt  }
0x60: {  	_ =	shalt  }
0x61: {  	_ =	shalt  }
0x62: {  	_ =	shalt  }
0x63: {  	_ =	shalt  }
0x64: {  	_ =	shalt  }
0x65: {  	_ =	shalt  }
0x66: {  	_ =	shalt  }
0x67: {  	_ =	shalt  }
0x68: {  	_ =	shalt  }
0x69: {  	_ =	shalt  }
0x6a: {  	_ =	shalt  }
0x6b: {  	_ =	shalt  }
0x6c: {  	_ =	shalt  }
0x6d: {  	_ =	shalt  }
0x6e: {  	_ =	shalt  }
0x6f: {  	_ =	shalt  }
0x70: {  	_ =	shalt  }
0x71: {  	_ =	shalt  }
0x72: {  	_ =	shalt  }
0x73: {  	_ =	shalt  }
0x74: {  	_ =	shalt  }
0x75: {  	_ =	shalt  }
0x76: {  	_ =	shalt  }
0x77: {  	_ =	shalt  }
0x78: {  	_ =	shalt  }
0x79: {  	_ =	shalt  }
0x7a: {  	_ =	shalt  }
0x7b: {  	_ =	shalt  }
0x7c: {  	_ =	shalt  }
0x7d: {  	_ =	shalt  }
0x7e: {  	_ =	shalt  }
0x7f: {  	_ =	shalt  }
0x80: {  	_ =	shalt  }
0x81: {  	_ =	shalt  }
0x82: {  	_ =	shalt  }
0x83: {  	_ =	shalt  }
0x84: {  	_ =	shalt  }
0x85: {  	_ =	shalt  }
0x86: {  	_ =	shalt  }
0x87: {  	_ =	shalt  }
.Lfunc_end0:
.L_simem_size_0:
called_computation_lowered:
.L_overlay_start_0:
0x88: {  	s2 =	sld [smem:$0x3FD9]  }
0x89: {  	s3 =	sld [smem:$0x3FFE];
	_ =	sdelay $0x1  }
0x8a: {  	s1 =	srdreg.scid  }
0x8b: {  	s0 =	sand.u32 $0x1, s1  }
0x8c: {  	s14 =	sshll.u32 s0, $0xA;
	s2 =	sadd.s32 s3, s2  }
0x8d: {  	s2 =	sadd.s32 s2, s14  }
0x8e: {  	[smem:$0x3FC3] =	sst s2  }
0x8f: {  	_ = 	snop  }
0x90: {  	s2 =	sld [smem:$0x3FD0];
	_ =	sdelay $0x2  }
0x91: {  	s15 =	simm.s32 $0xA;
	s4 =	simm.s32 $0x10  }
0x92: {  	[smem:s4], [sflag:s15] =	dma.local [hbm:s2], $0x1  }
0x93: {  	_ =	swait.eq [sflag:s15], $0x1  }
0x94: {  	[sflag:s15] =	ssyncset.done $0x0  }
0x95: {  	[sflag:s15] =	ssyncadd.s32 $0xFFFFFFFF  }
0x96: {  	s16 =	sld [smem:$0x14];
	(tm) =	ssettm $0x1  }
0x97: {  	s17 =	sld [smem:$0x3FFB];
	_ =	sdelay $0x3  }
0x98: {  	_ =	strace s17  }
0x99: {  	s3 =	sld [smem:$0x3FFC];
	_ =	sdelay $0x3  }
0x9a: {  	_ =	strace s3  }
0x9b: {  	s3 =	sld [smem:$0x3FFD];
	_ =	sdelay $0x3  }
0x9c: {  	_ =	strace s3  }
0x9d: {  	_ =	strace $0x8FFFFFFF  }
0x9e: {  	s18 =	sld [smem:$0x3FDB];
	_ =	sdelay $0x1  }
0x9f: {  	s19 =	simm.s32 $_scs_section_size  }
0xa0: {  	s5 =	simm.s32 $_size__tile_overlayer_lowered;
	s6 =	simm.s32 $_tile_overlayer_lowered  }
0xa1: {  	s22 =	simm.s32 $0x1BFF;
	s21 =	sshll.u32 s6, $0x1;
	s3 =	sadd.s32 s19, s18  }
0xa2: {  	s7 =	simm.s32 $0x0;
	s20 =	sshll.u32 s5, $0x1;
	s5 =	sadd.s32 s21, s3  }
0xa3: {  	[timem:s7], [sflag:s22] =	dma.local [hbm:s5], s20  }
0xa4: {  	_ =	swait.ge [sflag:s22], s20  }
0xa5: {  	s4 =	ssub.s32 $0x0, s20;
	[sflag:s22] =	ssyncset.done $0x0  }
0xa6: {  	[sflag:s22] =	ssyncadd.s32 s4;
	_ =	sdelay $0x1  }
0xa7: {  	s23 =	simm.s32 $0x1B8B  }
0xa8: {  	_ =	swait.ge [sflag:s23], $0x1  }
0xa9: {  	[sflag:s23] =	ssyncset.done $0x0  }
0xaa: {  	s25 =	simm.s32 $0x1B8E;
	s24 =	sld [smem:$0x3FFE];
	[sflag:s23] =	ssyncadd.s32 $0xFFFFFFFF  }
0xab: {  	s26 =	simm.s32 $execute0_lowered;
	[smem:$0x3FD2] =	sst s25  }
0xac: {  	s5 =	sshll.u32 s26, $0x1;
	_ =	strace $0x80000046;
	[dreg:$0x1] =	wrdreg $0xFFFFFFFF  }
0xad: {  	s28 =	simm.s32 $_size_execute0_lowered;
	s3 =	sadd.s32 s3, s5;
	[dreg:$0x0] =	wrdreg $0x0  }
0xae: {  	s5 =	sshll.u32 s28, $0x1;
	[dreg:$0x2] =	wrdreg s3  }
0xaf: {  	[dreg:$0x3] =	wrdreg s5  }
0xb0: {  	[dreg:$0x4] =	wrdreg $0xC0  }
0xb1: {  	_ =	task [dreg:s7], $0x5FFFF  }
0xb2: {  	[dreg:$0x1] =	wrdreg $0xFFFFFFFF  }
0xb3: {  	[dreg:$0x0] =	wrdreg $0x60  }
0xb4: {  	[dreg:$0x2] =	wrdreg s16  }
0xb5: {  	[dreg:$0x3] =	wrdreg s24  }
0xb6: {  	[dreg:$0x4] =	wrdreg $0x9  }
0xb7: {  	_ =	task.clear_ibuf [dreg:s7], $0x5FFFF;
	_ =	strace $0x90000046  }
0xb8: {  	s29 =	simm.s32 $0x9;
	_ =	strace $0x80000048  }
0xb9: {  	_ =	swait.ge [sflag:s29], $0x1  }
0xba: {  	[sflag:s29] =	ssyncadd.s32 $0xFFFFFFFF  }
0xbb: {  	_ =	strace $0x90000048  }
0xbc: {  	_ =	sfence  }
0xbd: {  	s30 =	sld [smem:$0x0];
	_ =	sdelay $0x2  }
0xbe: {  	s31 =	sshll.u32 s1, $0xD;
	s1 =	sshrl.u32 s1, $0x2  }
0xbf: {  	s3 =	sand.u32 $0x4000, s31;
	s1 =	sadd.s32 s1, s30  }
0xc0: {  	s0 =	sor.u32 s3, s0;
	s1 =	sshll.u32 s1, $0x11  }
0xc1: {  	s0 =	sor.u32 s1, s0  }
0xc2: {  	s0 =	sadd.s32 $0x8F2B, s0  }
0xc3: {  	[sflag:s0] =	ssyncadd.remote.s32 $0x1  }
0xc4: {  	_ =	sfence.sel $0xFFFF  }
0xc5: {  	[dreg:$0x0] =	wrdreg $0xFFFFFFFF;
	(pc) =	sbr.abs _section_cstart, $3  }
0xc6: {  	[dreg:$0x1] =	wrdreg $0xFFFFFFFF  }
0xc7: {  	_ =	task.clear_ibuf [dreg:s7], $0x2FFFF;
	_ =	strace $0x9FFFFFFF  }
0xc8: {  	(tm) =	ssettm $0x7FFFFFFF  }
0xc9: {  	_ =	shalt  }
tec
execute0_lowered:
.L_overlay_start_1:
0x0: {  	(tag) =	ssettag $0x1  }
0x1: {  	s1 =	srdreg.scid;
	s2 =	rddreg [dreg:$0x0]  }
0x2: {  	s0 =	stileid.u32;
	s5 =	rddreg [dreg:$0x1];
	s6 =	simm.s32 $0x1  }
0x3: {  	s9 =	simm.s32 $0x1;
	s10 =	simm.s32 $0x3;
	s1 =	sshll.u32 s1, $0x8  }
0x4: {  	s13 =	simm.s32 $0x0;
	s3 =	sshll.u32 s0, $0x9;
	s4 =	sand.u32 $0x100, s1  }
0x5: {  	s12 =	simm.s32 $0x0;
	s1 =	rddreg [dreg:$0x2];
	s3 =	sor.u32 s3, s4  }
0x6: {  	_ =	strace $0x80000047;
	s4 =	sadd.s32 $0x15E00, s5;
	s8 =	ssub.s32 $0x4000, s3  }
.Ltmp0:
0x7: {  	s5 =	sadd.s32 $0x16600, s5;
	s7 =	sand.u32 $0x1F00, s8;
	(pc) =	sbr.rel .LBB2_1-.Ltmp0, $4  }
0x8: {  	[sflag:s6] =	ssyncpa.u1 $0x0;
	s11 =	smov.u32 s3;
	p0 =	sne.s32 s7, $0x0  }
0x9: {  	s8 =	sshrl.u32 s8, $0xD;
	s7 =	simm.s32 $0x2;
	s9 =	simm.s32 @!p0 $0x0  }
0xa: {  	[sflag:s7] =	ssyncpa.u1 $0x0;
	p0 =	por $0x0, $0x0;
	s8 =	sadd.s32 s9, s8  }
0xb: {  	vm0 =	vmmov $0xffff;
	[sflag:s10] =	ssyncpa.u1 $0x0;
	s10 =	simm.s32 $0x0;
	s9 =	sadd.s32 $0x1, s8  }
.LBB2_4:
0xc: {  	vm1 =	veq.s32 v0, $0x80000000;
	v63 =	vand.u32 $0x1FF, v0;
	v2 =	vand.u32 $0x3FF, v2  }
0xd: {  	v0 =	vsel vm1, $0xFFFFFFFF, v63;
	v2 =	vsel vm1, $0xFFFFFFFF, v2  }
0xe: {  	v3 =	vshll.u32 v0, $0xA;
	v4 =	vshll.u32 v2, $0x3  }
0xf: {  	v0 =	vshll.u32 v0, $0x7;
	v3 =	vand.u32 $0xFFFFE000, v3;
	v4 =	vand.u32 $0xFFFFFC00, v4  }
0x10: {  	v0 =	vand.u32 $0x380, v0;
	v3 =	vadd.s32 v3, v4  }
0x11: {  	v2 =	vand.u32 $0x7F, v2;
	v0 =	vor.u32 v0, v3  }
0x12: {  	v0 =	vor.u32 v2, v0;
	_ =	sdelay $0x1  }
0x13: {  	(ifvalue) =	ssetifvalue $0x7FFFFFFF;
	s14 =	sadd.s32 $0x10, s14  }
0x14: {  	[tilespmem:s14], [sflag:$0x1] =	stream.indirect_vreg.gather [hbm4b:s2+s10], $0x1, v1, vm0, $0x4038;
	[tilespmem:$0x400] =	vst v63  }
0x15: {  	(ifvalue) =	ssetifvalue $0x7FFFFFFF;
	s14 =	sadd.s32 $0x10, s14  }
0x16: {  	[tilespmem:s14], [sflag:$0x1] =	stream.indirect_vreg.gather [hbm4b:s2+s10], $0x1, v0, vm0, $0x4038;
	[tilespmem:$0x400] =	vst v63  }
0x17: {  	_ =	swait.ge [sflag:s6], $0x100  }
0x18: {  	s30 =	sshrl.u32 s13, $0x3;
	[sflag:s6] =	ssyncset.done $0x0  }
0x19: {  	s31 =	sand.u32 $0x7, s13;
	s14 =	sadd.s32 s5, s30;
	[sflag:s6] =	ssyncadd.s32 $0xFFFFFF00  }
0x1a: {  	[hbm4b:s14+s31] =	stream.linear.scatter [tilespmem:s15], [sflag:$0x3], $0x100, $0x38;
	[tilespmem:$0x400] =	vst v63  }
.LBB2_5:
0x1b: {  	s15 =	sadd.s32 $0x2000, s11  }
0x1c: {  	p2 =	sgt.s32 s15, $0x3FFF  }
0x1d: {  	s15 =	smov.u32 @p2 s3;
	p2 =	sne.s32 s12, s9  }
.Ltmp1:
0x1e: {  	p1 =	slt.u32 s12, $0x2;
	(pc) =	sbr.rel @!p2 .LBB2_6-.Ltmp1, $4  }
0x1f: {  	s14 =	simm.s32 @!p1 $0x3  }
0x20: {  	s16 =	sadd.s32 $0x1, s12;
	_ =	swait.ge @!p1 [sflag:s14], $0x100  }
0x21: {  	s13 =	smov.u32 s11;
	p0 =	por !p0, !p0;
	[sflag:s14] =	ssyncset.done @!p1 $0x0  }
0x22: {  	s12 =	smov.u32 s16;
	s11 =	smov.u32 s15;
	[sflag:s14] =	ssyncadd.s32 @!p1 $0xFFFFFF00  }
.LBB2_1:
0x23: {  	p1 =	sge.u32 s12, s8  }
0x24: {  	s14 =	sxor.u32 @!p1 $0xFFFFFFFF, s12  }
0x25: {  	s31 =	sadd.s32 $0xFFFFFFFF, s12;
	s15 =	sshrl.u32 @!p1 s11, $0x3;
	s14 =	sshll.u32 @!p1 s14, $0x8  }
0x26: {  	s16 =	sand.u32 @!p1 $0x7, s11;
	s15 =	sadd.s32 @!p1 s4, s15;
	s14 =	sand.u32 @!p1 $0x100, s14  }
0x27: {  	[tilespmem:s14], [sflag:$0x2] =	stream.linear.gather @!p1 [hbm4b:s15+s16], $0x100, $0x38;
	[tilespmem:$0x400] =	vst v63  }
0x28: {  	p1 =	sge.u32 s31, s8  }
.Ltmp2:
0x29: {  	_ = 	snop;
	(pc) =	sbr.rel @p1 .LBB2_5-.Ltmp2, $1  }
0x2a: {  	_ =	sdelay $0x3  }
0x2b: {  	s14 =	simm.s32 $0x1  }
0x2c: {  	_ =	swait.ge [sflag:s7], $0x100;
	s14 =	simm.s32 @!p0 $0x0  }
0x2d: {  	[sflag:s7] =	ssyncset.done $0x0;
	s14 =	sshll.u32 s14, $0x8  }
0x2e: {  	[sflag:s7] =	ssyncadd.s32 $0xFFFFFF00;
	(ifvalue) =	ssetifvalue $0x7FFFFFFF;
	v0 =	vld.msk [tilespmem:s14+$0x0 ss:$0x1], $0xffff;
	_ =	sdelay $0x3  }
0x2f: {  	s15 =	sadd.s32 $0x10, s14  }
0x30: {  	v2 =	vld.msk [tilespmem:s15+$0x0 ss:$0x1], $0xffff;
	v1 =	vshrl.u32 v0, $0x9  }
0x31: {  	vm1 =	veq.s32 v0, $0x80000000;
	v0 =	vand.u32 $0x1FF, v0;
	v1 =	vand.u32 $0x3FF, v1  }
0x32: {  	v0 =	vsel vm1, $0xFFFFFFFF, v0;
	v1 =	vsel vm1, $0xFFFFFFFF, v1  }
0x33: {  	v3 =	vshll.u32 v0, $0xA;
	v4 =	vshll.u32 v1, $0x3  }
0x34: {  	v0 =	vshll.u32 v0, $0x7;
	v3 =	vand.u32 $0xFFFFE000, v3;
	v4 =	vand.u32 $0xFFFFFC00, v4  }
0x35: {  	vm1 =	veq.s32 v2, $0x80000000;
	v0 =	vand.u32 $0x380, v0;
	v3 =	vadd.s32 v3, v4  }
0x36: {  	v1 =	vand.u32 $0x7F, v1;
	v0 =	vor.u32 v0, v3;
	v3 =	vshrl.u32 v2, $0x9  }
0x37: {  	s17 =	sadd.s32 $0x10, s15;
	v2 =	vand.u32 $0x1FF, v2;
	v1 =	vor.u32 v1, v0;
	v3 =	vand.u32 $0x3FF, v3  }
0x38: {  	v0 =	vld.msk [tilespmem:s17+$0x0 ss:$0x1], $0xffff;
	v2 =	vsel vm1, $0xFFFFFFFF, v2;
	v3 =	vsel vm1, $0xFFFFFFFF, v3  }
0x39: {  	v63 =	vshll.u32 v2, $0xA;
	v5 =	vshll.u32 v3, $0x3  }
0x3a: {  	s31 =	sshll.u32 s12, $0x8;
	v2 =	vshll.u32 v2, $0x7;
	v4 =	vand.u32 $0xFFFFE000, v63;
	v5 =	vand.u32 $0xFFFFFC00, v5  }
0x3b: {  	s14 =	sor.u32 $0x200, s14;
	s15 =	sand.u32 $0x100, s31;
	(ifvalue) =	ssetifvalue $0x7FFFFFFF;
	v2 =	vand.u32 $0x380, v2;
	v4 =	vadd.s32 v4, v5  }
0x3c: {  	[tilespmem:s14], [sflag:$0x1] =	stream.indirect_vreg.gather [hbm4b:s2+s10], $0x1, v1, vm0, $0x4038;
	v1 =	vand.u32 $0x7F, v3;
	v3 =	vor.u32 v2, v4;
	[tilespmem:$0x400] =	vst v63  }
0x3d: {  	s16 =	simm.s32 $0x20;
	s15 =	sor.u32 $0x200, s15;
	s17 =	sadd.s32 $0x10, s17;
	v2 =	vshrl.u32 v0, $0x9;
	v1 =	vor.u32 v1, v3  }
.LBB2_3:
0x3e: {  	s16 =	sadd.s32 $0x10, s16;
	vm1 =	veq.s32 v0, $0x80000000;
	v3 =	vand.u32 $0x1FF, v0;
	v0 =	vld.msk [tilespmem:s17+$0x0 ss:$0x1], $0xffff;
	v2 =	vand.u32 $0x3FF, v2  }
0x3f: {  	p1 =	slt.u32 s16, $0xF0;
	v3 =	vsel vm1, $0xFFFFFFFF, v3;
	v2 =	vsel vm1, $0xFFFFFFFF, v2  }
.Ltmp3:
0x40: {  	v4 =	vshll.u32 v3, $0xA;
	v5 =	vshll.u32 v2, $0x3;
	(pc) =	sbr.rel @p1 .LBB2_3-.Ltmp3, $4  }
0x41: {  	s14 =	sadd.s32 $0x10, s14;
	v3 =	vshll.u32 v3, $0x7;
	v4 =	vand.u32 $0xFFFFE000, v4;
	v5 =	vand.u32 $0xFFFFFC00, v5;
	(ifvalue) =	ssetifvalue $0x7FFFFFFF  }
0x42: {  	v3 =	vand.u32 $0x380, v3;
	v4 =	vadd.s32 v4, v5;
	[tilespmem:s14], [sflag:$0x1] =	stream.indirect_vreg.gather [hbm4b:s2+s10], $0x1, v1, vm0, $0x4038;
	[tilespmem:$0x400] =	vst v63  }
0x43: {  	v1 =	vand.u32 $0x7F, v2;
	v3 =	vor.u32 v3, v4  }
0x44: {  	s17 =	sadd.s32 $0x10, s17;
	v2 =	vshrl.u32 v0, $0x9;
	v1 =	vor.u32 v1, v3  }
.Ltmp4:
0x45: {  	_ = 	snop;
	(pc) =	sbr.rel .LBB2_4-.Ltmp4, $1  }
0x46: {  	_ =	sdelay $0x3  }
.LBB2_6:
0x47: {  	_ =	sfence.sel $0x180000  }
0x48: {  	s2 =	simm.s32 $0x2;
	[bflag:$0x0] =	sbarrier.arrive $0xFFFF  }
0x49: {  	s30 =	simm.s32 $0x3;
	[sflag:s2] =	ssyncpa.u1 $0x1  }
0x4a: {  	s31 =	simm.s32 $0x1;
	[sflag:s30] =	ssyncpa.u1 $0x1  }
0x4b: {  	[sflag:s31] =	ssyncpa.u1 $0x1  }
0x4c: {  	p0 =	sne.s32 s0, $0x0;
	_ =	strace $0x90000047  }
0x4d: {  	s0 =	sadd.s32 @!p0 $0x100000, s1;
	[bflag:$0x2] =	sbarrier.arrive $0xFFFF  }
0x4e: {  	[sflag:s0] =	ssyncadd.tile.s32 @!p0 $0x1;
	_ =	shalt  }
.Lfunc_end2:
_tile_overlayer_lowered:
.L_overlay_start_2:
0x4f: {  	(tag) =	ssettag $0x2  }
0x50: {  	s0 =	rddreg [dreg:$0x0];
	s2 =	stileid.u32  }
0x51: {  	s1 =	rddreg [dreg:$0x1];
	p0 =	sne.s32 s2, $0x0  }
0x52: {  	s3 =	rddreg [dreg:$0x2];
	[bflag:$0x3] =	sbarrier.arrive $0xFFFF;
	s2 =	simm.s32 @!p0 $0x1C01  }
0x53: {  	[timem:s3], [sflag:s2] =	dma.local @!p0 [hbm:s0], s1  }
0x54: {  	s0 =	simm.s32 @!p0 $0x1  }
0x55: {  	_ =	swait.ge @!p0 [sflag:s0], s1  }
0x56: {  	s1 =	ssub.s32 @!p0 $0x0, s1;
	[sflag:s0] =	ssyncset.done @!p0 $0x0  }
0x57: {  	[sflag:s0] =	ssyncadd.s32 @!p0 s1  }
0x58: {  	[bflag:$0x3] =	sbarrier.arrive $0xFFFF  }
0x59: {  	_ =	shalt  }

</sc_bundles>
